<compile_context>
chip_gen: v7x
topology: tpu7x:2x2x1
jax: 0.10.2.dev20260603
libtpu: 0.0.44.dev20260713+nightly
codegen_flags: <defaults>
</compile_context>

<pallas_src>
import functools

import jax
import jax.numpy as jnp
from jax import lax
from jax.experimental import pallas as pl
from jax.experimental.pallas import tpu as pltpu
from jax.experimental.pallas import tpu_sc as plsc

_T_TOTAL = 100000
_OBS = 512
_H1 = 256
_H2 = 128
_ACT = 32
_NJ = 32
_NB = 16
_BATCH = 4096

_NC, _NS, _L = 2, 16, 16
_NW = _NC * _NS
_BPW = _BATCH // _NW

_DIMS = (_NJ, _NJ, _NB * 3, _NB * 4, _NB * 3, _NB * 3)

_sc_mesh = plsc.VectorSubcoreMesh(
    core_axis_name="c", subcore_axis_name="s",
    num_cores=_NC, num_subcores=_NS)


def _gather_body(ts_hbm, t0, t1, t2, t3, t4, t5,
                 o0, o1, o2, o3, o4, o5,
                 idx_v, b0, b1, b2, b3, b4, b5, sem):
    wid = lax.axis_index("s") * _NC + lax.axis_index("c")
    base = wid * _BPW
    pltpu.sync_copy(ts_hbm.at[pl.ds(base, _BPW)], idx_v)
    for i in range(_BPW // _L):
        sl = pl.ds(i * _L, _L)
        idx_v[sl] = jnp.minimum(idx_v[sl], _T_TOTAL - 1)
    tabs = (t0, t1, t2, t3, t4, t5)
    bufs = (b0, b1, b2, b3, b4, b5)
    outs = (o0, o1, o2, o3, o4, o5)
    cps = [pltpu.async_copy(tab.at[idx_v], buf, sem)
           for tab, buf in zip(tabs, bufs)]
    for cp, buf, out in zip(cps, bufs, outs):
        cp.wait()
        pltpu.sync_copy(buf, out.at[pl.ds(base, _BPW)])


_gather_call = pl.kernel(
    _gather_body,
    out_type=tuple(jax.ShapeDtypeStruct((_BATCH, d), jnp.float32)
                   for d in _DIMS),
    mesh=_sc_mesh,
    scratch_types=[pltpu.VMEM((_BPW,), jnp.int32)]
                  + [pltpu.VMEM((_BPW, d), jnp.float32) for d in _DIMS]
                  + [pltpu.SemaphoreType.DMA],
    compiler_params=pltpu.CompilerParams(use_tc_tiling_on_sc=False),
)


_BM = 512


def _mlp_body(x_ref, w1_ref, b1_ref, w2_ref, b2_ref, w3_ref, b3_ref, o_ref):
    h = jnp.dot(x_ref[...], w1_ref[...],
                preferred_element_type=jnp.float32) + b1_ref[...]
    h = jnp.where(h > 0, h, jnp.exp(h) - 1.0)
    h = jnp.dot(h, w2_ref[...], preferred_element_type=jnp.float32) + b2_ref[...]
    h = jnp.where(h > 0, h, jnp.exp(h) - 1.0)
    o_ref[...] = jnp.dot(h, w3_ref[...],
                         preferred_element_type=jnp.float32) + b3_ref[...]


_mlp_call = pl.pallas_call(
    _mlp_body,
    grid=(_BATCH // _BM,),
    in_specs=[
        pl.BlockSpec((_BM, _OBS), lambda i: (i, 0)),
        pl.BlockSpec((_OBS, _H1), lambda i: (0, 0)),
        pl.BlockSpec((1, _H1), lambda i: (0, 0)),
        pl.BlockSpec((_H1, _H2), lambda i: (0, 0)),
        pl.BlockSpec((1, _H2), lambda i: (0, 0)),
        pl.BlockSpec((_H2, _ACT), lambda i: (0, 0)),
        pl.BlockSpec((1, _ACT), lambda i: (0, 0)),
    ],
    out_specs=pl.BlockSpec((_BM, _ACT), lambda i: (i, 0)),
    out_shape=jax.ShapeDtypeStruct((_BATCH, _ACT), jnp.float32),
)


def kernel(x, time_step, W1, b1, W2, b2, W3, b3,
           joint_pos, joint_vel, body_pos_w, body_quat_w,
           body_lin_vel_w, body_ang_vel_w):
    ts = time_step.astype(jnp.int32).reshape(_BATCH)
    g_jp, g_jv, g_bp, g_bq, g_blv, g_bav = _gather_call(
        ts,
        joint_pos,
        joint_vel,
        body_pos_w.reshape(_T_TOTAL, _NB * 3),
        body_quat_w.reshape(_T_TOTAL, _NB * 4),
        body_lin_vel_w.reshape(_T_TOTAL, _NB * 3),
        body_ang_vel_w.reshape(_T_TOTAL, _NB * 3),
    )
    actions = _mlp_call(x, W1, b1.reshape(1, _H1), W2, b2.reshape(1, _H2),
                        W3, b3.reshape(1, _ACT))
    return (actions,
            g_jp,
            g_jv,
            g_bp.reshape(_BATCH, _NB, 3),
            g_bq.reshape(_BATCH, _NB, 4),
            g_blv.reshape(_BATCH, _NB, 3),
            g_bav.reshape(_BATCH, _NB, 3))

# --- scband reference (transcript-rebuilt; emitter-appended) ---
"""Pipeline reference for scband-onnx-motion-policy-exporter-61177514164641 (READ-ONLY COPY).

The authoritative reference and input builder live on the scoring server;
editing this copy changes nothing except your own understanding.
"""

import jax, jax.numpy as jnp
import numpy as np

T_TOTAL = 100000
OBS = 512
H1 = 256
H2 = 128
ACT = 32
NJ = 32
NB = 16
BATCH = 4096


def setup_inputs(seed: int = 0) -> dict:
    key = jax.random.key(seed)
    ks = jax.random.split(key, 16)
    x = jax.random.normal(ks[0], (BATCH, OBS), dtype=jnp.float32)
    time_step = jax.random.randint(ks[1], (BATCH, 1), 0, T_TOTAL, dtype=jnp.int32)
    # actor MLP params (Linear-ELU-Linear-ELU-Linear, rsl_rl style)
    W1 = jax.random.normal(ks[2], (OBS, H1), dtype=jnp.float32) * 0.04
    b1 = jnp.zeros((H1,), dtype=jnp.float32)
    W2 = jax.random.normal(ks[3], (H1, H2), dtype=jnp.float32) * 0.06
    b2 = jnp.zeros((H2,), dtype=jnp.float32)
    W3 = jax.random.normal(ks[4], (H2, ACT), dtype=jnp.float32) * 0.08
    b3 = jnp.zeros((ACT,), dtype=jnp.float32)
    # motion reference tables (registered buffers in the torch module)
    joint_pos = jax.random.normal(ks[5], (T_TOTAL, NJ), dtype=jnp.float32)
    joint_vel = jax.random.normal(ks[6], (T_TOTAL, NJ), dtype=jnp.float32)
    body_pos_w = jax.random.normal(ks[7], (T_TOTAL, NB, 3), dtype=jnp.float32)
    bq = jax.random.normal(ks[8], (T_TOTAL, NB, 4), dtype=jnp.float32)
    body_quat_w = bq / (jnp.linalg.norm(bq, axis=-1, keepdims=True) + 1e-8)
    body_lin_vel_w = jax.random.normal(ks[9], (T_TOTAL, NB, 3), dtype=jnp.float32)
    body_ang_vel_w = jax.random.normal(ks[10], (T_TOTAL, NB, 3), dtype=jnp.float32)
    return {
        'x': x, 'time_step': time_step,
        'W1': W1, 'b1': b1, 'W2': W2, 'b2': b2, 'W3': W3, 'b3': b3,
        'joint_pos': joint_pos, 'joint_vel': joint_vel,
        'body_pos_w': body_pos_w, 'body_quat_w': body_quat_w,
        'body_lin_vel_w': body_lin_vel_w, 'body_ang_vel_w': body_ang_vel_w,
    }


def reference(x, time_step, W1, b1, W2, b2, W3, b3,
              joint_pos, joint_vel, body_pos_w, body_quat_w,
              body_lin_vel_w, body_ang_vel_w):
    # time_step_clamped = clamp(time_step.long().squeeze(-1), max=T-1)
    t = jnp.minimum(time_step.astype(jnp.int32).squeeze(-1), T_TOTAL - 1)
    # normalizer is Identity; actor MLP
    h = jax.nn.elu(x @ W1 + b1)
    h = jax.nn.elu(h @ W2 + b2)
    actions = h @ W3 + b3
    # gather motion reference rows (SparseCore-style embedding lookups)
    return (actions,
            jnp.take(joint_pos, t, axis=0),
            jnp.take(joint_vel, t, axis=0),
            jnp.take(body_pos_w, t, axis=0),
            jnp.take(body_quat_w, t, axis=0),
            jnp.take(body_lin_vel_w, t, axis=0),
            jnp.take(body_ang_vel_w, t, axis=0))

if __name__ == "__main__":
    import jax
    _d = setup_inputs()
    print(jax.jit(kernel)(*tuple(_d.values())))

</pallas_src>

<mosaic_0001>
#map = affine_map<(d0, d1) -> (0)>
#map1 = affine_map<(d0, d1) -> (0, 0)>
module attributes {stable_mosaic.version = 14 : i64} {
  func.func @_gather_body(%arg0: i32, %arg1: i32, %arg2: memref<4096xi32, #tpu.memory_space<hbm>>, %arg3: memref<100000x32xf32, #tpu.memory_space<hbm>>, %arg4: memref<100000x32xf32, #tpu.memory_space<hbm>>, %arg5: memref<100000x48xf32, #tpu.memory_space<hbm>>, %arg6: memref<100000x64xf32, #tpu.memory_space<hbm>>, %arg7: memref<100000x48xf32, #tpu.memory_space<hbm>>, %arg8: memref<100000x48xf32, #tpu.memory_space<hbm>>, %arg9: memref<4096x32xf32, #tpu.memory_space<hbm>>, %arg10: memref<4096x32xf32, #tpu.memory_space<hbm>>, %arg11: memref<4096x48xf32, #tpu.memory_space<hbm>>, %arg12: memref<4096x64xf32, #tpu.memory_space<hbm>>, %arg13: memref<4096x48xf32, #tpu.memory_space<hbm>>, %arg14: memref<4096x48xf32, #tpu.memory_space<hbm>>, %arg15: memref<128xi32, #tpu.memory_space<vmem>>, %arg16: memref<128x32xf32, #tpu.memory_space<vmem>>, %arg17: memref<128x32xf32, #tpu.memory_space<vmem>>, %arg18: memref<128x48xf32, #tpu.memory_space<vmem>>, %arg19: memref<128x64xf32, #tpu.memory_space<vmem>>, %arg20: memref<128x48xf32, #tpu.memory_space<vmem>>, %arg21: memref<128x48xf32, #tpu.memory_space<vmem>>, %arg22: memref<!tpu.dma_semaphore, #tpu.memory_space<semaphore_mem>>) attributes {dimension_semantics = [#tpu.dimension_semantics<core_parallel>, #tpu.dimension_semantics<subcore_parallel>], iteration_bounds = array<i64: 2, 16>, scalar_prefetch = 0 : i64, scratch_operands = 8 : i64, tpu.core_type = #tpu.core_type<sc_vector_subcore>, window_params = [{transform_indices = #map}, {transform_indices = #map1}, {transform_indices = #map1}, {transform_indices = #map1}, {transform_indices = #map1}, {transform_indices = #map1}, {transform_indices = #map1}, {transform_indices = #map1}, {transform_indices = #map1}, {transform_indices = #map1}, {transform_indices = #map1}, {transform_indices = #map1}, {transform_indices = #map1}]} {
    %mul3A = arith.constant 2 : i32
    %mul3A_0 = arith.muli %arg1, %mul3A : i32
    %add3A = arith.addi %mul3A_0, %arg0 : i32
    %mul3A_1 = arith.constant 128 : i32
    %mul3A_2 = arith.muli %add3A, %mul3A_1 : i32
    "tpu.region"() ({
      %run_scoped3A = tpu.sem_alloc : memref<!tpu.dma_semaphore, #tpu.memory_space<semaphore_mem>>
      %dma_start3A_114 = tpu.memref_slice %arg2[%mul3A_2] : memref<4096xi32, #tpu.memory_space<hbm>> -> memref<128xi32, #tpu.memory_space<hbm>>
      %dma_start3A_115 = tpu.memref_slice %arg2[%mul3A_2] : memref<4096xi32, #tpu.memory_space<hbm>> -> memref<128xi32, #tpu.memory_space<hbm>>
      tpu.enqueue_dma source(%dma_start3A_115 : memref<128xi32, #tpu.memory_space<hbm>>) target(%arg15 : memref<128xi32, #tpu.memory_space<vmem>>) target_semaphore(%run_scoped3A : memref<!tpu.dma_semaphore, #tpu.memory_space<semaphore_mem>>)
      %dma_wait3A_116 = tpu.memref_slice %arg2[%mul3A_2] : memref<4096xi32, #tpu.memory_space<hbm>> -> memref<128xi32, #tpu.memory_space<hbm>>
      %dma_wait3A_117 = tpu.memref_slice %arg2[%mul3A_2] : memref<4096xi32, #tpu.memory_space<hbm>> -> memref<128xi32, #tpu.memory_space<hbm>>
      tpu.wait_dma2 semaphore(%run_scoped3A : memref<!tpu.dma_semaphore, #tpu.memory_space<semaphore_mem>>) src(%dma_wait3A_117 : memref<128xi32, #tpu.memory_space<hbm>>) dst(%arg15 : memref<128xi32, #tpu.memory_space<vmem>>)
      tpu.yield
    }) : () -> ()
    %get3A = arith.constant 0 : index
    %get3A_3 = tpu.vector_load %arg15[%get3A] {strides = array<i32>} : memref<128xi32, #tpu.memory_space<vmem>>, vector<16xi32>,
    %get3A_4 = vector.shape_cast %get3A_3 : vector<16xi32> to vector<16xi32>
    %min3A = arith.constant 99999 : i32
    %min3A_5 = vector.broadcast %min3A : i32 to vector<16xi32>
    %min3A_6 = arith.minsi %get3A_4, %min3A_5 : vector<16xi32>
    %swap3A = arith.constant 0 : index
    %swap3A_7 = tpu.vector_load %arg15[%swap3A] {strides = array<i32>} : memref<128xi32, #tpu.memory_space<vmem>>, vector<16xi32>,
    %swap3A_8 = vector.shape_cast %swap3A_7 : vector<16xi32> to vector<16xi32>
    %swap3A_9 = vector.shape_cast %min3A_6 : vector<16xi32> to vector<16xi32>
    tpu.vector_store %arg15[%swap3A], %swap3A_9 {strides = array<i32>} : memref<128xi32, #tpu.memory_space<vmem>>, vector<16xi32>,
    %get3A_10 = arith.constant 16 : index
    %get3A_11 = tpu.vector_load %arg15[%get3A_10] {strides = array<i32>} : memref<128xi32, #tpu.memory_space<vmem>>, vector<16xi32>,
    %get3A_12 = vector.shape_cast %get3A_11 : vector<16xi32> to vector<16xi32>
    %min3A_13 = arith.constant 99999 : i32
    %min3A_14 = vector.broadcast %min3A_13 : i32 to vector<16xi32>
    %min3A_15 = arith.minsi %get3A_12, %min3A_14 : vector<16xi32>
    %swap3A_16 = arith.constant 16 : index
    %swap3A_17 = tpu.vector_load %arg15[%swap3A_16] {strides = array<i32>} : memref<128xi32, #tpu.memory_space<vmem>>, vector<16xi32>,
    %swap3A_18 = vector.shape_cast %swap3A_17 : vector<16xi32> to vector<16xi32>
    %swap3A_19 = vector.shape_cast %min3A_15 : vector<16xi32> to vector<16xi32>
    tpu.vector_store %arg15[%swap3A_16], %swap3A_19 {strides = array<i32>} : memref<128xi32, #tpu.memory_space<vmem>>, vector<16xi32>,
    %get3A_20 = arith.constant 32 : index
    %get3A_21 = tpu.vector_load %arg15[%get3A_20] {strides = array<i32>} : memref<128xi32, #tpu.memory_space<vmem>>, vector<16xi32>,
    %get3A_22 = vector.shape_cast %get3A_21 : vector<16xi32> to vector<16xi32>
    %min3A_23 = arith.constant 99999 : i32
    %min3A_24 = vector.broadcast %min3A_23 : i32 to vector<16xi32>
    %min3A_25 = arith.minsi %get3A_22, %min3A_24 : vector<16xi32>
    %swap3A_26 = arith.constant 32 : index
    %swap3A_27 = tpu.vector_load %arg15[%swap3A_26] {strides = array<i32>} : memref<128xi32, #tpu.memory_space<vmem>>, vector<16xi32>,
    %swap3A_28 = vector.shape_cast %swap3A_27 : vector<16xi32> to vector<16xi32>
    %swap3A_29 = vector.shape_cast %min3A_25 : vector<16xi32> to vector<16xi32>
    tpu.vector_store %arg15[%swap3A_26], %swap3A_29 {strides = array<i32>} : memref<128xi32, #tpu.memory_space<vmem>>, vector<16xi32>,
    %get3A_30 = arith.constant 48 : index
    %get3A_31 = tpu.vector_load %arg15[%get3A_30] {strides = array<i32>} : memref<128xi32, #tpu.memory_space<vmem>>, vector<16xi32>,
    %get3A_32 = vector.shape_cast %get3A_31 : vector<16xi32> to vector<16xi32>
    %min3A_33 = arith.constant 99999 : i32
    %min3A_34 = vector.broadcast %min3A_33 : i32 to vector<16xi32>
    %min3A_35 = arith.minsi %get3A_32, %min3A_34 : vector<16xi32>
    %swap3A_36 = arith.constant 48 : index
    %swap3A_37 = tpu.vector_load %arg15[%swap3A_36] {strides = array<i32>} : memref<128xi32, #tpu.memory_space<vmem>>, vector<16xi32>,
    %swap3A_38 = vector.shape_cast %swap3A_37 : vector<16xi32> to vector<16xi32>
    %swap3A_39 = vector.shape_cast %min3A_35 : vector<16xi32> to vector<16xi32>
    tpu.vector_store %arg15[%swap3A_36], %swap3A_39 {strides = array<i32>} : memref<128xi32, #tpu.memory_space<vmem>>, vector<16xi32>,
    %get3A_40 = arith.constant 64 : index
    %get3A_41 = tpu.vector_load %arg15[%get3A_40] {strides = array<i32>} : memref<128xi32, #tpu.memory_space<vmem>>, vector<16xi32>,
    %get3A_42 = vector.shape_cast %get3A_41 : vector<16xi32> to vector<16xi32>
    %min3A_43 = arith.constant 99999 : i32
    %min3A_44 = vector.broadcast %min3A_43 : i32 to vector<16xi32>
    %min3A_45 = arith.minsi %get3A_42, %min3A_44 : vector<16xi32>
    %swap3A_46 = arith.constant 64 : index
    %swap3A_47 = tpu.vector_load %arg15[%swap3A_46] {strides = array<i32>} : memref<128xi32, #tpu.memory_space<vmem>>, vector<16xi32>,
    %swap3A_48 = vector.shape_cast %swap3A_47 : vector<16xi32> to vector<16xi32>
    %swap3A_49 = vector.shape_cast %min3A_45 : vector<16xi32> to vector<16xi32>
    tpu.vector_store %arg15[%swap3A_46], %swap3A_49 {strides = array<i32>} : memref<128xi32, #tpu.memory_space<vmem>>, vector<16xi32>,
    %get3A_50 = arith.constant 80 : index
    %get3A_51 = tpu.vector_load %arg15[%get3A_50] {strides = array<i32>} : memref<128xi32, #tpu.memory_space<vmem>>, vector<16xi32>,
    %get3A_52 = vector.shape_cast %get3A_51 : vector<16xi32> to vector<16xi32>
    %min3A_53 = arith.constant 99999 : i32
    %min3A_54 = vector.broadcast %min3A_53 : i32 to vector<16xi32>
    %min3A_55 = arith.minsi %get3A_52, %min3A_54 : vector<16xi32>
    %swap3A_56 = arith.constant 80 : index
    %swap3A_57 = tpu.vector_load %arg15[%swap3A_56] {strides = array<i32>} : memref<128xi32, #tpu.memory_space<vmem>>, vector<16xi32>,
    %swap3A_58 = vector.shape_cast %swap3A_57 : vector<16xi32> to vector<16xi32>
    %swap3A_59 = vector.shape_cast %min3A_55 : vector<16xi32> to vector<16xi32>
    tpu.vector_store %arg15[%swap3A_56], %swap3A_59 {strides = array<i32>} : memref<128xi32, #tpu.memory_space<vmem>>, vector<16xi32>,
    %get3A_60 = arith.constant 96 : index
    %get3A_61 = tpu.vector_load %arg15[%get3A_60] {strides = array<i32>} : memref<128xi32, #tpu.memory_space<vmem>>, vector<16xi32>,
    %get3A_62 = vector.shape_cast %get3A_61 : vector<16xi32> to vector<16xi32>
    %min3A_63 = arith.constant 99999 : i32
    %min3A_64 = vector.broadcast %min3A_63 : i32 to vector<16xi32>
    %min3A_65 = arith.minsi %get3A_62, %min3A_64 : vector<16xi32>
    %swap3A_66 = arith.constant 96 : index
    %swap3A_67 = tpu.vector_load %arg15[%swap3A_66] {strides = array<i32>} : memref<128xi32, #tpu.memory_space<vmem>>, vector<16xi32>,
    %swap3A_68 = vector.shape_cast %swap3A_67 : vector<16xi32> to vector<16xi32>
    %swap3A_69 = vector.shape_cast %min3A_65 : vector<16xi32> to vector<16xi32>
    tpu.vector_store %arg15[%swap3A_66], %swap3A_69 {strides = array<i32>} : memref<128xi32, #tpu.memory_space<vmem>>, vector<16xi32>,
    %get3A_70 = arith.constant 112 : index
    %get3A_71 = tpu.vector_load %arg15[%get3A_70] {strides = array<i32>} : memref<128xi32, #tpu.memory_space<vmem>>, vector<16xi32>,
    %get3A_72 = vector.shape_cast %get3A_71 : vector<16xi32> to vector<16xi32>
    %min3A_73 = arith.constant 99999 : i32
    %min3A_74 = vector.broadcast %min3A_73 : i32 to vector<16xi32>
    %min3A_75 = arith.minsi %get3A_72, %min3A_74 : vector<16xi32>
    %swap3A_76 = arith.constant 112 : index
    %swap3A_77 = tpu.vector_load %arg15[%swap3A_76] {strides = array<i32>} : memref<128xi32, #tpu.memory_space<vmem>>, vector<16xi32>,
    %swap3A_78 = vector.shape_cast %swap3A_77 : vector<16xi32> to vector<16xi32>
    %swap3A_79 = vector.shape_cast %min3A_75 : vector<16xi32> to vector<16xi32>
    tpu.vector_store %arg15[%swap3A_76], %swap3A_79 {strides = array<i32>} : memref<128xi32, #tpu.memory_space<vmem>>, vector<16xi32>,
    %dma_start3A = arith.constant 0 : i32
    %dma_start3A_80 = arith.constant 0 : i32
    %dma_start3A_81 = tpu.memref_slice %arg3[%dma_start3A, %dma_start3A_80] : memref<100000x32xf32, #tpu.memory_space<hbm>> -> memref<100000x32xf32, #tpu.memory_space<hbm>>
    tpu.enqueue_indirect_dma source(%dma_start3A_81 : memref<100000x32xf32, #tpu.memory_space<hbm>>) target(%arg16 : memref<128x32xf32, #tpu.memory_space<vmem>>) offsets(%arg15 : memref<128xi32, #tpu.memory_space<vmem>>) semaphore(%arg22 : memref<!tpu.dma_semaphore, #tpu.memory_space<semaphore_mem>>)
    %dma_start3A_82 = arith.constant 0 : i32
    %dma_start3A_83 = arith.constant 0 : i32
    %dma_start3A_84 = tpu.memref_slice %arg4[%dma_start3A_82, %dma_start3A_83] : memref<100000x32xf32, #tpu.memory_space<hbm>> -> memref<100000x32xf32, #tpu.memory_space<hbm>>
    tpu.enqueue_indirect_dma source(%dma_start3A_84 : memref<100000x32xf32, #tpu.memory_space<hbm>>) target(%arg17 : memref<128x32xf32, #tpu.memory_space<vmem>>) offsets(%arg15 : memref<128xi32, #tpu.memory_space<vmem>>) semaphore(%arg22 : memref<!tpu.dma_semaphore, #tpu.memory_space<semaphore_mem>>)
    %dma_start3A_85 = arith.constant 0 : i32
    %dma_start3A_86 = arith.constant 0 : i32
    %dma_start3A_87 = tpu.memref_slice %arg5[%dma_start3A_85, %dma_start3A_86] : memref<100000x48xf32, #tpu.memory_space<hbm>> -> memref<100000x48xf32, #tpu.memory_space<hbm>>
    tpu.enqueue_indirect_dma source(%dma_start3A_87 : memref<100000x48xf32, #tpu.memory_space<hbm>>) target(%arg18 : memref<128x48xf32, #tpu.memory_space<vmem>>) offsets(%arg15 : memref<128xi32, #tpu.memory_space<vmem>>) semaphore(%arg22 : memref<!tpu.dma_semaphore, #tpu.memory_space<semaphore_mem>>)
    %dma_start3A_88 = arith.constant 0 : i32
    %dma_start3A_89 = arith.constant 0 : i32
    %dma_start3A_90 = tpu.memref_slice %arg6[%dma_start3A_88, %dma_start3A_89] : memref<100000x64xf32, #tpu.memory_space<hbm>> -> memref<100000x64xf32, #tpu.memory_space<hbm>>
    tpu.enqueue_indirect_dma source(%dma_start3A_90 : memref<100000x64xf32, #tpu.memory_space<hbm>>) target(%arg19 : memref<128x64xf32, #tpu.memory_space<vmem>>) offsets(%arg15 : memref<128xi32, #tpu.memory_space<vmem>>) semaphore(%arg22 : memref<!tpu.dma_semaphore, #tpu.memory_space<semaphore_mem>>)
    %dma_start3A_91 = arith.constant 0 : i32
    %dma_start3A_92 = arith.constant 0 : i32
    %dma_start3A_93 = tpu.memref_slice %arg7[%dma_start3A_91, %dma_start3A_92] : memref<100000x48xf32, #tpu.memory_space<hbm>> -> memref<100000x48xf32, #tpu.memory_space<hbm>>
    tpu.enqueue_indirect_dma source(%dma_start3A_93 : memref<100000x48xf32, #tpu.memory_space<hbm>>) target(%arg20 : memref<128x48xf32, #tpu.memory_space<vmem>>) offsets(%arg15 : memref<128xi32, #tpu.memory_space<vmem>>) semaphore(%arg22 : memref<!tpu.dma_semaphore, #tpu.memory_space<semaphore_mem>>)
    %dma_start3A_94 = arith.constant 0 : i32
    %dma_start3A_95 = arith.constant 0 : i32
    %dma_start3A_96 = tpu.memref_slice %arg8[%dma_start3A_94, %dma_start3A_95] : memref<100000x48xf32, #tpu.memory_space<hbm>> -> memref<100000x48xf32, #tpu.memory_space<hbm>>
    tpu.enqueue_indirect_dma source(%dma_start3A_96 : memref<100000x48xf32, #tpu.memory_space<hbm>>) target(%arg21 : memref<128x48xf32, #tpu.memory_space<vmem>>) offsets(%arg15 : memref<128xi32, #tpu.memory_space<vmem>>) semaphore(%arg22 : memref<!tpu.dma_semaphore, #tpu.memory_space<semaphore_mem>>)
    %dma_wait3A = arith.constant 0 : i32
    %dma_wait3A_97 = arith.constant 0 : i32
    %dma_wait3A_98 = tpu.memref_slice %arg3[%dma_wait3A, %dma_wait3A_97] : memref<100000x32xf32, #tpu.memory_space<hbm>> -> memref<100000x32xf32, #tpu.memory_space<hbm>>
    tpu.wait_indirect_dma semaphore(%arg22 : memref<!tpu.dma_semaphore, #tpu.memory_space<semaphore_mem>>) src(%dma_wait3A_98 : memref<100000x32xf32, #tpu.memory_space<hbm>>) dst(%arg16 : memref<128x32xf32, #tpu.memory_space<vmem>>)
    "tpu.region"() ({
      %run_scoped3A = tpu.sem_alloc : memref<!tpu.dma_semaphore, #tpu.memory_space<semaphore_mem>>
      %dma_start3A_114 = arith.constant 0 : i32
      %dma_start3A_115 = tpu.memref_slice %arg9[%mul3A_2, %dma_start3A_114] : memref<4096x32xf32, #tpu.memory_space<hbm>> -> memref<128x32xf32, #tpu.memory_space<hbm>>
      %dma_start3A_116 = arith.constant 0 : i32
      %dma_start3A_117 = tpu.memref_slice %arg9[%mul3A_2, %dma_start3A_116] : memref<4096x32xf32, #tpu.memory_space<hbm>> -> memref<128x32xf32, #tpu.memory_space<hbm>>
      tpu.enqueue_dma source(%arg16 : memref<128x32xf32, #tpu.memory_space<vmem>>) target(%dma_start3A_117 : memref<128x32xf32, #tpu.memory_space<hbm>>) target_semaphore(%run_scoped3A : memref<!tpu.dma_semaphore, #tpu.memory_space<semaphore_mem>>)
      %dma_wait3A_118 = arith.constant 0 : i32
      %dma_wait3A_119 = tpu.memref_slice %arg9[%mul3A_2, %dma_wait3A_118] : memref<4096x32xf32, #tpu.memory_space<hbm>> -> memref<128x32xf32, #tpu.memory_space<hbm>>
      %dma_wait3A_120 = arith.constant 0 : i32
      %dma_wait3A_121 = tpu.memref_slice %arg9[%mul3A_2, %dma_wait3A_120] : memref<4096x32xf32, #tpu.memory_space<hbm>> -> memref<128x32xf32, #tpu.memory_space<hbm>>
      tpu.wait_dma2 semaphore(%run_scoped3A : memref<!tpu.dma_semaphore, #tpu.memory_space<semaphore_mem>>) src(%arg16 : memref<128x32xf32, #tpu.memory_space<vmem>>) dst(%dma_wait3A_121 : memref<128x32xf32, #tpu.memory_space<hbm>>)
      tpu.yield
    }) : () -> ()
    %dma_wait3A_99 = arith.constant 0 : i32
    %dma_wait3A_100 = arith.constant 0 : i32
    %dma_wait3A_101 = tpu.memref_slice %arg4[%dma_wait3A_99, %dma_wait3A_100] : memref<100000x32xf32, #tpu.memory_space<hbm>> -> memref<100000x32xf32, #tpu.memory_space<hbm>>
    tpu.wait_indirect_dma semaphore(%arg22 : memref<!tpu.dma_semaphore, #tpu.memory_space<semaphore_mem>>) src(%dma_wait3A_101 : memref<100000x32xf32, #tpu.memory_space<hbm>>) dst(%arg17 : memref<128x32xf32, #tpu.memory_space<vmem>>)
    "tpu.region"() ({
      %run_scoped3A = tpu.sem_alloc : memref<!tpu.dma_semaphore, #tpu.memory_space<semaphore_mem>>
      %dma_start3A_114 = arith.constant 0 : i32
      %dma_start3A_115 = tpu.memref_slice %arg10[%mul3A_2, %dma_start3A_114] : memref<4096x32xf32, #tpu.memory_space<hbm>> -> memref<128x32xf32, #tpu.memory_space<hbm>>
      %dma_start3A_116 = arith.constant 0 : i32
      %dma_start3A_117 = tpu.memref_slice %arg10[%mul3A_2, %dma_start3A_116] : memref<4096x32xf32, #tpu.memory_space<hbm>> -> memref<128x32xf32, #tpu.memory_space<hbm>>
      tpu.enqueue_dma source(%arg17 : memref<128x32xf32, #tpu.memory_space<vmem>>) target(%dma_start3A_117 : memref<128x32xf32, #tpu.memory_space<hbm>>) target_semaphore(%run_scoped3A : memref<!tpu.dma_semaphore, #tpu.memory_space<semaphore_mem>>)
      %dma_wait3A_118 = arith.constant 0 : i32
      %dma_wait3A_119 = tpu.memref_slice %arg10[%mul3A_2, %dma_wait3A_118] : memref<4096x32xf32, #tpu.memory_space<hbm>> -> memref<128x32xf32, #tpu.memory_space<hbm>>
      %dma_wait3A_120 = arith.constant 0 : i32
      %dma_wait3A_121 = tpu.memref_slice %arg10[%mul3A_2, %dma_wait3A_120] : memref<4096x32xf32, #tpu.memory_space<hbm>> -> memref<128x32xf32, #tpu.memory_space<hbm>>
      tpu.wait_dma2 semaphore(%run_scoped3A : memref<!tpu.dma_semaphore, #tpu.memory_space<semaphore_mem>>) src(%arg17 : memref<128x32xf32, #tpu.memory_space<vmem>>) dst(%dma_wait3A_121 : memref<128x32xf32, #tpu.memory_space<hbm>>)
      tpu.yield
    }) : () -> ()
    %dma_wait3A_102 = arith.constant 0 : i32
    %dma_wait3A_103 = arith.constant 0 : i32
    %dma_wait3A_104 = tpu.memref_slice %arg5[%dma_wait3A_102, %dma_wait3A_103] : memref<100000x48xf32, #tpu.memory_space<hbm>> -> memref<100000x48xf32, #tpu.memory_space<hbm>>
    tpu.wait_indirect_dma semaphore(%arg22 : memref<!tpu.dma_semaphore, #tpu.memory_space<semaphore_mem>>) src(%dma_wait3A_104 : memref<100000x48xf32, #tpu.memory_space<hbm>>) dst(%arg18 : memref<128x48xf32, #tpu.memory_space<vmem>>)
    "tpu.region"() ({
      %run_scoped3A = tpu.sem_alloc : memref<!tpu.dma_semaphore, #tpu.memory_space<semaphore_mem>>
      %dma_start3A_114 = arith.constant 0 : i32
      %dma_start3A_115 = tpu.memref_slice %arg11[%mul3A_2, %dma_start3A_114] : memref<4096x48xf32, #tpu.memory_space<hbm>> -> memref<128x48xf32, #tpu.memory_space<hbm>>
      %dma_start3A_116 = arith.constant 0 : i32
      %dma_start3A_117 = tpu.memref_slice %arg11[%mul3A_2, %dma_start3A_116] : memref<4096x48xf32, #tpu.memory_space<hbm>> -> memref<128x48xf32, #tpu.memory_space<hbm>>
      tpu.enqueue_dma source(%arg18 : memref<128x48xf32, #tpu.memory_space<vmem>>) target(%dma_start3A_117 : memref<128x48xf32, #tpu.memory_space<hbm>>) target_semaphore(%run_scoped3A : memref<!tpu.dma_semaphore, #tpu.memory_space<semaphore_mem>>)
      %dma_wait3A_118 = arith.constant 0 : i32
      %dma_wait3A_119 = tpu.memref_slice %arg11[%mul3A_2, %dma_wait3A_118] : memref<4096x48xf32, #tpu.memory_space<hbm>> -> memref<128x48xf32, #tpu.memory_space<hbm>>
      %dma_wait3A_120 = arith.constant 0 : i32
      %dma_wait3A_121 = tpu.memref_slice %arg11[%mul3A_2, %dma_wait3A_120] : memref<4096x48xf32, #tpu.memory_space<hbm>> -> memref<128x48xf32, #tpu.memory_space<hbm>>
      tpu.wait_dma2 semaphore(%run_scoped3A : memref<!tpu.dma_semaphore, #tpu.memory_space<semaphore_mem>>) src(%arg18 : memref<128x48xf32, #tpu.memory_space<vmem>>) dst(%dma_wait3A_121 : memref<128x48xf32, #tpu.memory_space<hbm>>)
      tpu.yield
    }) : () -> ()
    %dma_wait3A_105 = arith.constant 0 : i32
    %dma_wait3A_106 = arith.constant 0 : i32
    %dma_wait3A_107 = tpu.memref_slice %arg6[%dma_wait3A_105, %dma_wait3A_106] : memref<100000x64xf32, #tpu.memory_space<hbm>> -> memref<100000x64xf32, #tpu.memory_space<hbm>>
    tpu.wait_indirect_dma semaphore(%arg22 : memref<!tpu.dma_semaphore, #tpu.memory_space<semaphore_mem>>) src(%dma_wait3A_107 : memref<100000x64xf32, #tpu.memory_space<hbm>>) dst(%arg19 : memref<128x64xf32, #tpu.memory_space<vmem>>)
    "tpu.region"() ({
      %run_scoped3A = tpu.sem_alloc : memref<!tpu.dma_semaphore, #tpu.memory_space<semaphore_mem>>
      %dma_start3A_114 = arith.constant 0 : i32
      %dma_start3A_115 = tpu.memref_slice %arg12[%mul3A_2, %dma_start3A_114] : memref<4096x64xf32, #tpu.memory_space<hbm>> -> memref<128x64xf32, #tpu.memory_space<hbm>>
      %dma_start3A_116 = arith.constant 0 : i32
      %dma_start3A_117 = tpu.memref_slice %arg12[%mul3A_2, %dma_start3A_116] : memref<4096x64xf32, #tpu.memory_space<hbm>> -> memref<128x64xf32, #tpu.memory_space<hbm>>
      tpu.enqueue_dma source(%arg19 : memref<128x64xf32, #tpu.memory_space<vmem>>) target(%dma_start3A_117 : memref<128x64xf32, #tpu.memory_space<hbm>>) target_semaphore(%run_scoped3A : memref<!tpu.dma_semaphore, #tpu.memory_space<semaphore_mem>>)
      %dma_wait3A_118 = arith.constant 0 : i32
      %dma_wait3A_119 = tpu.memref_slice %arg12[%mul3A_2, %dma_wait3A_118] : memref<4096x64xf32, #tpu.memory_space<hbm>> -> memref<128x64xf32, #tpu.memory_space<hbm>>
      %dma_wait3A_120 = arith.constant 0 : i32
      %dma_wait3A_121 = tpu.memref_slice %arg12[%mul3A_2, %dma_wait3A_120] : memref<4096x64xf32, #tpu.memory_space<hbm>> -> memref<128x64xf32, #tpu.memory_space<hbm>>
      tpu.wait_dma2 semaphore(%run_scoped3A : memref<!tpu.dma_semaphore, #tpu.memory_space<semaphore_mem>>) src(%arg19 : memref<128x64xf32, #tpu.memory_space<vmem>>) dst(%dma_wait3A_121 : memref<128x64xf32, #tpu.memory_space<hbm>>)
      tpu.yield
    }) : () -> ()
    %dma_wait3A_108 = arith.constant 0 : i32
    %dma_wait3A_109 = arith.constant 0 : i32
    %dma_wait3A_110 = tpu.memref_slice %arg7[%dma_wait3A_108, %dma_wait3A_109] : memref<100000x48xf32, #tpu.memory_space<hbm>> -> memref<100000x48xf32, #tpu.memory_space<hbm>>
    tpu.wait_indirect_dma semaphore(%arg22 : memref<!tpu.dma_semaphore, #tpu.memory_space<semaphore_mem>>) src(%dma_wait3A_110 : memref<100000x48xf32, #tpu.memory_space<hbm>>) dst(%arg20 : memref<128x48xf32, #tpu.memory_space<vmem>>)
    "tpu.region"() ({
      %run_scoped3A = tpu.sem_alloc : memref<!tpu.dma_semaphore, #tpu.memory_space<semaphore_mem>>
      %dma_start3A_114 = arith.constant 0 : i32
      %dma_start3A_115 = tpu.memref_slice %arg13[%mul3A_2, %dma_start3A_114] : memref<4096x48xf32, #tpu.memory_space<hbm>> -> memref<128x48xf32, #tpu.memory_space<hbm>>
      %dma_start3A_116 = arith.constant 0 : i32
      %dma_start3A_117 = tpu.memref_slice %arg13[%mul3A_2, %dma_start3A_116] : memref<4096x48xf32, #tpu.memory_space<hbm>> -> memref<128x48xf32, #tpu.memory_space<hbm>>
      tpu.enqueue_dma source(%arg20 : memref<128x48xf32, #tpu.memory_space<vmem>>) target(%dma_start3A_117 : memref<128x48xf32, #tpu.memory_space<hbm>>) target_semaphore(%run_scoped3A : memref<!tpu.dma_semaphore, #tpu.memory_space<semaphore_mem>>)
      %dma_wait3A_118 = arith.constant 0 : i32
      %dma_wait3A_119 = tpu.memref_slice %arg13[%mul3A_2, %dma_wait3A_118] : memref<4096x48xf32, #tpu.memory_space<hbm>> -> memref<128x48xf32, #tpu.memory_space<hbm>>
      %dma_wait3A_120 = arith.constant 0 : i32
      %dma_wait3A_121 = tpu.memref_slice %arg13[%mul3A_2, %dma_wait3A_120] : memref<4096x48xf32, #tpu.memory_space<hbm>> -> memref<128x48xf32, #tpu.memory_space<hbm>>
      tpu.wait_dma2 semaphore(%run_scoped3A : memref<!tpu.dma_semaphore, #tpu.memory_space<semaphore_mem>>) src(%arg20 : memref<128x48xf32, #tpu.memory_space<vmem>>) dst(%dma_wait3A_121 : memref<128x48xf32, #tpu.memory_space<hbm>>)
      tpu.yield
    }) : () -> ()
    %dma_wait3A_111 = arith.constant 0 : i32
    %dma_wait3A_112 = arith.constant 0 : i32
    %dma_wait3A_113 = tpu.memref_slice %arg8[%dma_wait3A_111, %dma_wait3A_112] : memref<100000x48xf32, #tpu.memory_space<hbm>> -> memref<100000x48xf32, #tpu.memory_space<hbm>>
    tpu.wait_indirect_dma semaphore(%arg22 : memref<!tpu.dma_semaphore, #tpu.memory_space<semaphore_mem>>) src(%dma_wait3A_113 : memref<100000x48xf32, #tpu.memory_space<hbm>>) dst(%arg21 : memref<128x48xf32, #tpu.memory_space<vmem>>)
    "tpu.region"() ({
      %run_scoped3A = tpu.sem_alloc : memref<!tpu.dma_semaphore, #tpu.memory_space<semaphore_mem>>
      %dma_start3A_114 = arith.constant 0 : i32
      %dma_start3A_115 = tpu.memref_slice %arg14[%mul3A_2, %dma_start3A_114] : memref<4096x48xf32, #tpu.memory_space<hbm>> -> memref<128x48xf32, #tpu.memory_space<hbm>>
      %dma_start3A_116 = arith.constant 0 : i32
      %dma_start3A_117 = tpu.memref_slice %arg14[%mul3A_2, %dma_start3A_116] : memref<4096x48xf32, #tpu.memory_space<hbm>> -> memref<128x48xf32, #tpu.memory_space<hbm>>
      tpu.enqueue_dma source(%arg21 : memref<128x48xf32, #tpu.memory_space<vmem>>) target(%dma_start3A_117 : memref<128x48xf32, #tpu.memory_space<hbm>>) target_semaphore(%run_scoped3A : memref<!tpu.dma_semaphore, #tpu.memory_space<semaphore_mem>>)
      %dma_wait3A_118 = arith.constant 0 : i32
      %dma_wait3A_119 = tpu.memref_slice %arg14[%mul3A_2, %dma_wait3A_118] : memref<4096x48xf32, #tpu.memory_space<hbm>> -> memref<128x48xf32, #tpu.memory_space<hbm>>
      %dma_wait3A_120 = arith.constant 0 : i32
      %dma_wait3A_121 = tpu.memref_slice %arg14[%mul3A_2, %dma_wait3A_120] : memref<4096x48xf32, #tpu.memory_space<hbm>> -> memref<128x48xf32, #tpu.memory_space<hbm>>
      tpu.wait_dma2 semaphore(%run_scoped3A : memref<!tpu.dma_semaphore, #tpu.memory_space<semaphore_mem>>) src(%arg21 : memref<128x48xf32, #tpu.memory_space<vmem>>) dst(%dma_wait3A_121 : memref<128x48xf32, #tpu.memory_space<hbm>>)
      tpu.yield
    }) : () -> ()
    return
  }
}

module attributes {stable_mosaic.version = 14 : i64} {
  func.func @_mlp_body(%arg0: i32, %arg1: memref<512x512xf32, #tpu.memory_space<vmem>>, %arg2: memref<512x256xf32, #tpu.memory_space<vmem>>, %arg3: memref<1x256xf32, #tpu.memory_space<vmem>>, %arg4: memref<256x128xf32, #tpu.memory_space<vmem>>, %arg5: memref<1x128xf32, #tpu.memory_space<vmem>>, %arg6: memref<128x32xf32, #tpu.memory_space<vmem>>, %arg7: memref<1x32xf32, #tpu.memory_space<vmem>>, %arg8: memref<512x32xf32, #tpu.memory_space<vmem>>) attributes {dimension_semantics = [#tpu.dimension_semantics<arbitrary>], iteration_bounds = array<i64: 8>, scalar_prefetch = 0 : i64, scratch_operands = 0 : i64, tpu.core_type = #tpu.core_type<tc>, window_params = [{transform_indices = @transform_0, window_bounds = array<i64: 512, 512>}, {pipeline_mode = #tpu.pipeline_mode<synchronous>, transform_indices = @transform_1, window_bounds = array<i64: 512, 256>}, {pipeline_mode = #tpu.pipeline_mode<synchronous>, transform_indices = @transform_2, window_bounds = array<i64: 1, 256>}, {pipeline_mode = #tpu.pipeline_mode<synchronous>, transform_indices = @transform_3, window_bounds = array<i64: 256, 128>}, {pipeline_mode = #tpu.pipeline_mode<synchronous>, transform_indices = @transform_4, window_bounds = array<i64: 1, 128>}, {pipeline_mode = #tpu.pipeline_mode<synchronous>, transform_indices = @transform_5, window_bounds = array<i64: 128, 32>}, {pipeline_mode = #tpu.pipeline_mode<synchronous>, transform_indices = @transform_6, window_bounds = array<i64: 1, 32>}, {transform_indices = @transform_7, window_bounds = array<i64: 512, 32>}]} {
    %get3A = arith.constant 0 : index
    %get3A_0 = arith.constant 0 : index
    %get3A_1 = vector.load %arg1[%get3A, %get3A_0] : memref<512x512xf32, #tpu.memory_space<vmem>>, vector<512x512xf32>
    %get3A_2 = arith.constant 0 : index
    %get3A_3 = arith.constant 0 : index
    %get3A_4 = vector.load %arg2[%get3A_2, %get3A_3] : memref<512x256xf32, #tpu.memory_space<vmem>>, vector<512x256xf32>
    %dot_general3A = arith.constant dense<0.000000e+00> : vector<512x256xf32>
    %dot_general3A_5 = tpu.matmul %get3A_1, %get3A_4, %dot_general3A {dimension_numbers = #tpu.dot_dimension_numbers<[1], [0], [0], [1], [0, 0, 1, 1], [], []>, transpose_lhs_hint = false} : vector<512x512xf32>, vector<512x256xf32>, vector<512x256xf32> -> vector<512x256xf32>
    %get3A_6 = arith.constant 0 : index
    %get3A_7 = arith.constant 0 : index
    %get3A_8 = vector.load %arg3[%get3A_6, %get3A_7] : memref<1x256xf32, #tpu.memory_space<vmem>>, vector<1x256xf32>
    %add3A = vector.broadcast %get3A_8 : vector<1x256xf32> to vector<512x256xf32>
    %add3A_9 = arith.addf %dot_general3A_5, %add3A : vector<512x256xf32>
    %gt3A = arith.constant 0.000000e+00 : f32
    %gt3A_10 = vector.broadcast %gt3A : f32 to vector<512x256xf32>
    %gt3A_11 = arith.cmpf ogt, %add3A_9, %gt3A_10 : vector<512x256xf32>
    %exp3A = math.exp %add3A_9 : vector<512x256xf32>
    %sub3A = arith.constant 1.000000e+00 : f32
    %sub3A_12 = vector.broadcast %sub3A : f32 to vector<512x256xf32>
    %sub3A_13 = arith.subf %exp3A, %sub3A_12 : vector<512x256xf32>
    %select_n3A = arith.select %gt3A_11, %add3A_9, %sub3A_13 : vector<512x256xi1>, vector<512x256xf32>
    %get3A_14 = arith.constant 0 : index
    %get3A_15 = arith.constant 0 : index
    %get3A_16 = vector.load %arg4[%get3A_14, %get3A_15] : memref<256x128xf32, #tpu.memory_space<vmem>>, vector<256x128xf32>
    %dot_general3A_17 = arith.constant dense<0.000000e+00> : vector<512x128xf32>
    %dot_general3A_18 = tpu.matmul %select_n3A, %get3A_16, %dot_general3A_17 {dimension_numbers = #tpu.dot_dimension_numbers<[1], [0], [0], [1], [0, 0, 1, 1], [], []>, transpose_lhs_hint = false} : vector<512x256xf32>, vector<256x128xf32>, vector<512x128xf32> -> vector<512x128xf32>
    %get3A_19 = arith.constant 0 : index
    %get3A_20 = arith.constant 0 : index
    %get3A_21 = vector.load %arg5[%get3A_19, %get3A_20] : memref<1x128xf32, #tpu.memory_space<vmem>>, vector<1x128xf32>
    %add3A_22 = vector.broadcast %get3A_21 : vector<1x128xf32> to vector<512x128xf32>
    %add3A_23 = arith.addf %dot_general3A_18, %add3A_22 : vector<512x128xf32>
    %gt3A_24 = arith.constant 0.000000e+00 : f32
    %gt3A_25 = vector.broadcast %gt3A_24 : f32 to vector<512x128xf32>
    %gt3A_26 = arith.cmpf ogt, %add3A_23, %gt3A_25 : vector<512x128xf32>
    %exp3A_27 = math.exp %add3A_23 : vector<512x128xf32>
    %sub3A_28 = arith.constant 1.000000e+00 : f32
    %sub3A_29 = vector.broadcast %sub3A_28 : f32 to vector<512x128xf32>
    %sub3A_30 = arith.subf %exp3A_27, %sub3A_29 : vector<512x128xf32>
    %select_n3A_31 = arith.select %gt3A_26, %add3A_23, %sub3A_30 : vector<512x128xi1>, vector<512x128xf32>
    %get3A_32 = arith.constant 0 : index
    %get3A_33 = arith.constant 0 : index
    %get3A_34 = vector.load %arg6[%get3A_32, %get3A_33] : memref<128x32xf32, #tpu.memory_space<vmem>>, vector<128x32xf32>
    %dot_general3A_35 = arith.constant dense<0.000000e+00> : vector<512x32xf32>
    %dot_general3A_36 = tpu.matmul %select_n3A_31, %get3A_34, %dot_general3A_35 {dimension_numbers = #tpu.dot_dimension_numbers<[1], [0], [0], [1], [0, 0, 1, 1], [], []>, transpose_lhs_hint = false} : vector<512x128xf32>, vector<128x32xf32>, vector<512x32xf32> -> vector<512x32xf32>
    %get3A_37 = arith.constant 0 : index
    %get3A_38 = arith.constant 0 : index
    %get3A_39 = vector.load %arg7[%get3A_37, %get3A_38] : memref<1x32xf32, #tpu.memory_space<vmem>>, vector<1x32xf32>
    %add3A_40 = vector.broadcast %get3A_39 : vector<1x32xf32> to vector<512x32xf32>
    %add3A_41 = arith.addf %dot_general3A_36, %add3A_40 : vector<512x32xf32>
    %swap3A = arith.constant 0 : index
    %swap3A_42 = arith.constant 0 : index
    %swap3A_43 = vector.load %arg8[%swap3A, %swap3A_42] : memref<512x32xf32, #tpu.memory_space<vmem>>, vector<512x32xf32>
    tpu.vector_store %arg8[%swap3A, %swap3A_42], %add3A_41 {strides = array<i32>} : memref<512x32xf32, #tpu.memory_space<vmem>>, vector<512x32xf32>,
    return
  }
  func.func @transform_0(%arg0: i32) -> (i32, i32) {
    %c0_i32 = arith.constant 0 : i32
    %c0_i32_0 = arith.constant 0 : i32
    return %arg0, %c0_i32 : i32, i32
  }
  func.func @transform_1(%arg0: i32) -> (i32, i32) {
    %c0_i32 = arith.constant 0 : i32
    %c0_i32_0 = arith.constant 0 : i32
    %c0_i32_1 = arith.constant 0 : i32
    return %c0_i32, %c0_i32_0 : i32, i32
  }
  func.func @transform_2(%arg0: i32) -> (i32, i32) {
    %c0_i32 = arith.constant 0 : i32
    %c0_i32_0 = arith.constant 0 : i32
    %c0_i32_1 = arith.constant 0 : i32
    return %c0_i32, %c0_i32_0 : i32, i32
  }
  func.func @transform_3(%arg0: i32) -> (i32, i32) {
    %c0_i32 = arith.constant 0 : i32
    %c0_i32_0 = arith.constant 0 : i32
    %c0_i32_1 = arith.constant 0 : i32
    return %c0_i32, %c0_i32_0 : i32, i32
  }
  func.func @transform_4(%arg0: i32) -> (i32, i32) {
    %c0_i32 = arith.constant 0 : i32
    %c0_i32_0 = arith.constant 0 : i32
    %c0_i32_1 = arith.constant 0 : i32
    return %c0_i32, %c0_i32_0 : i32, i32
  }
  func.func @transform_5(%arg0: i32) -> (i32, i32) {
    %c0_i32 = arith.constant 0 : i32
    %c0_i32_0 = arith.constant 0 : i32
    %c0_i32_1 = arith.constant 0 : i32
    return %c0_i32, %c0_i32_0 : i32, i32
  }
  func.func @transform_6(%arg0: i32) -> (i32, i32) {
    %c0_i32 = arith.constant 0 : i32
    %c0_i32_0 = arith.constant 0 : i32
    %c0_i32_1 = arith.constant 0 : i32
    return %c0_i32, %c0_i32_0 : i32, i32
  }
  func.func @transform_7(%arg0: i32) -> (i32, i32) {
    %c0_i32 = arith.constant 0 : i32
    %c0_i32_0 = arith.constant 0 : i32
    return %arg0, %c0_i32 : i32, i32
  }
}

</mosaic_0001>

<sc_bundles>
// kernel: kernel.4.cloned.1.call-start
scs
__scs_entry_jumppad:
0x0: {  	(pc) =	sbr.rel $0x88, $3  }
0x1: {  	(tag) =	ssettag $0x0;
	lr =	simm.s32 $0x1  }
0x2: {  	[smem:$0x3F93] =	sst lr;
	_ =	strace $0xD0000000  }
0x3: {  	_ = 	snop  }
0x4: {  	_ = 	snop  }
0x5: {  	_ = 	snop  }
0x6: {  	_ = 	snop  }
0x7: {  	_ = 	snop  }
__scs_overlays_trampoline_lowered:
0x8: {  	[smem:$0x3FA2] =	sst s0  }
0x9: {  	[smem:$0x3FA3] =	sst s1  }
0xa: {  	[smem:$0x3FA4] =	sst s2  }
0xb: {  	[smem:$0x3FA5] =	sst s3  }
0xc: {  	[smem:$0x3FA6] =	sst s4  }
0xd: {  	[smem:$0x3FA7] =	sst s5  }
0xe: {  	[smem:$0x3FA8] =	sst s6  }
0xf: {  	[smem:$0x3FA9] =	sst s7  }
0x10: {  	[smem:$0x3FAA] =	sst s8  }
0x11: {  	[smem:$0x3FAB] =	sst s9;
	s0 =	simm.s32 @!p0 $0x0  }
0x12: {  	s1 =	sld [smem:$0x3F91];
	s0 =	simm.s32 @p0 $0x1  }
0x13: {  	[smem:$0x3FAC] =	sst s0;
	s0 =	simm.s32 @!p1 $0x0  }
0x14: {  	s2 =	sld [smem:$0x3F90];
	s0 =	simm.s32 @p1 $0x1  }
0x15: {  	[smem:$0x3FAD] =	sst s0;
	s0 =	simm.s32 @!p2 $0x0  }
0x16: {  	s3 =	sld [smem:$0x3FDB];
	s0 =	simm.s32 @p2 $0x1  }
0x17: {  	s4 =	simm.s32 $0x1BF5;
	[smem:$0x3FAF] =	sst s0  }
0x18: {  	s0 =	sld [smem:$0x3F92];
	_ =	swait.ge [sflag:s4], $0x0  }
0x19: {  	s7 =	sld [smem:$0x3F93]  }
0x1a: {  	s8 =	sadd.s32 $0xFFFFE003, lr  }
0x1b: {  	s9 =	sadd.s32 $0xFFFFFEF7, lr;
	s5 =	simm.s32 $0xFFFFFFFF;
	p2 =	slt.u32 s8, $0xFFFFF086  }
0x1c: {  	p1 =	slt.u32 s9, $0xF7A;
	s5 =	simm.s32 @!p2 $0x0  }
0x1d: {  	s5 =	simm.s32 @p1 $0x1;
	p0 =	seq.s32 s7, s2  }
0x1e: {  	s7 =	smul.u32 @!p0 $0xF7A, s2;
	p2 =	seq.s32 @!p0 s5, $0x0  }
0x1f: {  	s9 =	smul.u32 $0xF7A, s1;
	s8 =	simm.s32 @!p0 $0x1BF5;
	p2 =	por !p2, p0  }
0x20: {  	[sflag:s8] =	ssyncset.s32 @!p0 $0xFFFFF086;
	s6 =	sadd.s32 @!p0 s3, s7;
	s7 =	simm.s32 @!p0 $0x108  }
0x21: {  	s3 =	sadd.s32 s3, s9;
	s6 =	sadd.s32 @!p0 $0x88, s6;
	s7 =	simm.s32 @p2 $0x1082  }
0x22: {  	[simem:s7], [sflag:s8] =	dma.local @!p0 [hbm:s6], $0xF7A  }
0x23: {  	s9 =	sor.u32 $0xD0000000, s2;
	s6 =	simm.s32 $0x108;
	_ =	swait.ge @!p0 [sflag:s8], $0x0  }
0x24: {  	s3 =	sadd.s32 $0x88, s3;
	s6 =	simm.s32 @!p1 $0x1082;
	[sflag:s4] =	ssyncset.s32 $0xFFFFF086  }
0x25: {  	[simem:s6], [sflag:s4] =	dma.local [hbm:s3], $0xF7A  }
0x26: {  	[smem:$0x3F93] =	sst s1;
	(tag) =	ssettag s2;
	_ =	strace s9  }
0x27: {  	s1 =	sld [smem:$0x3FA3]  }
0x28: {  	s2 =	sld [smem:$0x3FA4]  }
0x29: {  	s4 =	sld [smem:$0x3FA6]  }
0x2a: {  	p0 =	seq.s32 s5, $0x0;
	s5 =	sld [smem:$0x3FA7]  }
0x2b: {  	s6 =	sld [smem:$0x3FA8]  }
0x2c: {  	s7 =	sld [smem:$0x3FA9]  }
0x2d: {  	s3 =	simm.s32 $0x108;
	s8 =	sld [smem:$0x3FAA]  }
0x2e: {  	s3 =	simm.s32 @!p0 $0x1082;
	s9 =	sld [smem:$0x3FAB]  }
0x2f: {  	lr =	sadd.s32 s0, s3;
	s0 =	sld [smem:$0x3FA2]  }
0x30: {  	s3 =	sld [smem:$0x3FA5]  }
0x31: {  	[smem:$0x3FAE] =	sst s10  }
0x32: {  	s10 =	sld [smem:$0x3FAC];
	_ =	sdelay $0x3  }
0x33: {  	p0 =	seq.s32 s10, $0x1;
	s10 =	sld [smem:$0x3FAE];
	_ =	sdelay $0x3  }
0x34: {  	[smem:$0x3FAE] =	sst s10  }
0x35: {  	s10 =	sld [smem:$0x3FAD];
	_ =	sdelay $0x3  }
0x36: {  	p1 =	seq.s32 s10, $0x1;
	s10 =	sld [smem:$0x3FAE];
	_ =	sdelay $0x3  }
0x37: {  	[smem:$0x3FAE] =	sst s10  }
0x38: {  	s10 =	sld [smem:$0x3FAF]  }
0x39: {  	_ = 	snop;
	(pc) =	sbr.ind lr, $3  }
0x3a: {  	_ = 	snop  }
0x3b: {  	_ = 	snop  }
0x3c: {  	p2 =	seq.s32 s10, $0x1;
	s10 =	sld [smem:$0x3FAE]  }
0x3d: {  	_ =	shalt  }
0x3e: {  	_ =	shalt  }
0x3f: {  	_ =	shalt  }
0x40: {  	_ =	shalt  }
0x41: {  	_ =	shalt  }
0x42: {  	_ =	shalt  }
0x43: {  	_ =	shalt  }
0x44: {  	_ =	shalt  }
0x45: {  	_ =	shalt  }
0x46: {  	_ =	shalt  }
0x47: {  	_ =	shalt  }
0x48: {  	_ =	shalt  }
0x49: {  	_ =	shalt  }
0x4a: {  	_ =	shalt  }
0x4b: {  	_ =	shalt  }
0x4c: {  	_ =	shalt  }
0x4d: {  	_ =	shalt  }
0x4e: {  	_ =	shalt  }
0x4f: {  	_ =	shalt  }
0x50: {  	_ =	shalt  }
0x51: {  	_ =	shalt  }
0x52: {  	_ =	shalt  }
0x53: {  	_ =	shalt  }
0x54: {  	_ =	shalt  }
0x55: {  	_ =	shalt  }
0x56: {  	_ =	shalt  }
0x57: {  	_ =	shalt  }
0x58: {  	_ =	shalt  }
0x59: {  	_ =	shalt  }
0x5a: {  	_ =	shalt  }
0x5b: {  	_ =	shalt  }
0x5c: {  	_ =	shalt  }
0x5d: {  	_ =	shalt  }
0x5e: {  	_ =	shalt  }
0x5f: {  	_ =	shalt  }
0x60: {  	_ =	shalt  }
0x61: {  	_ =	shalt  }
0x62: {  	_ =	shalt  }
0x63: {  	_ =	shalt  }
0x64: {  	_ =	shalt  }
0x65: {  	_ =	shalt  }
0x66: {  	_ =	shalt  }
0x67: {  	_ =	shalt  }
0x68: {  	_ =	shalt  }
0x69: {  	_ =	shalt  }
0x6a: {  	_ =	shalt  }
0x6b: {  	_ =	shalt  }
0x6c: {  	_ =	shalt  }
0x6d: {  	_ =	shalt  }
0x6e: {  	_ =	shalt  }
0x6f: {  	_ =	shalt  }
0x70: {  	_ =	shalt  }
0x71: {  	_ =	shalt  }
0x72: {  	_ =	shalt  }
0x73: {  	_ =	shalt  }
0x74: {  	_ =	shalt  }
0x75: {  	_ =	shalt  }
0x76: {  	_ =	shalt  }
0x77: {  	_ =	shalt  }
0x78: {  	_ =	shalt  }
0x79: {  	_ =	shalt  }
0x7a: {  	_ =	shalt  }
0x7b: {  	_ =	shalt  }
0x7c: {  	_ =	shalt  }
0x7d: {  	_ =	shalt  }
0x7e: {  	_ =	shalt  }
0x7f: {  	_ =	shalt  }
0x80: {  	_ =	shalt  }
0x81: {  	_ =	shalt  }
0x82: {  	_ =	shalt  }
0x83: {  	_ =	shalt  }
0x84: {  	_ =	shalt  }
0x85: {  	_ =	shalt  }
0x86: {  	_ =	shalt  }
0x87: {  	_ =	shalt  }
.Lfunc_end0:
.L_simem_size_0:
called_computation_lowered:
.L_overlay_start_0:
0x88: {  	s2 =	sld [smem:$0x3FD9]  }
0x89: {  	s3 =	sld [smem:$0x3FFE];
	_ =	sdelay $0x1  }
0x8a: {  	s1 =	srdreg.scid  }
0x8b: {  	s0 =	sand.u32 $0x1, s1  }
0x8c: {  	s14 =	sshll.u32 s0, $0xA;
	s2 =	sadd.s32 s3, s2  }
0x8d: {  	s2 =	sadd.s32 s2, s14  }
0x8e: {  	[smem:$0x3FBA] =	sst s2  }
0x8f: {  	_ = 	snop  }
0x90: {  	s2 =	sld [smem:$0x3FD0];
	_ =	sdelay $0x2  }
0x91: {  	s4 =	simm.s32 $0xA;
	s5 =	simm.s32 $0x10;
	s15 =	sld [smem:$0x3FC8]  }
0x92: {  	[smem:s5], [sflag:s4] =	dma.local [hbm:s2], $0x1  }
0x93: {  	_ =	swait.eq [sflag:s4], $0x1  }
0x94: {  	s16 =	sld [smem:$0x12]  }
0x95: {  	s17 =	sld [smem:$0x14];
	[sflag:s4] =	ssyncset.done $0x0  }
0x96: {  	s6 =	sld [smem:$0x15];
	[sflag:s4] =	ssyncadd.s32 $0xFFFFFFFF  }
0x97: {  	s18 =	sld [smem:$0x16];
	(tm) =	ssettm $0x1  }
0x98: {  	s7 =	sld [smem:$0x3FFB];
	_ =	sdelay $0x3  }
0x99: {  	_ =	strace s7  }
0x9a: {  	s7 =	sld [smem:$0x3FFC];
	_ =	sdelay $0x3  }
0x9b: {  	_ =	strace s7  }
0x9c: {  	s7 =	sld [smem:$0x3FFD];
	_ =	sdelay $0x3  }
0x9d: {  	_ =	strace s7  }
0x9e: {  	_ =	strace $0x8FFFFFFF  }
0x9f: {  	s19 =	sld [smem:$0x3FDB];
	_ =	sdelay $0x1  }
0xa0: {  	s8 =	simm.s32 $_scs_section_size  }
0xa1: {  	s9 =	simm.s32 $_size__tile_overlayer_lowered;
	s10 =	simm.s32 $_tile_overlayer_lowered  }
0xa2: {  	s22 =	simm.s32 $0x1BFF;
	s21 =	sshll.u32 s10, $0x1;
	s7 =	sadd.s32 s8, s19  }
0xa3: {  	s11 =	simm.s32 $0x0;
	s20 =	sshll.u32 s9, $0x1;
	s9 =	sadd.s32 s21, s7  }
0xa4: {  	[timem:s11], [sflag:s22] =	dma.local [hbm:s9], s20  }
0xa5: {  	_ =	swait.ge [sflag:s22], s20  }
0xa6: {  	s8 =	ssub.s32 $0x0, s20;
	[sflag:s22] =	ssyncset.done $0x0  }
0xa7: {  	[sflag:s22] =	ssyncadd.s32 s8;
	_ =	sdelay $0x1  }
0xa8: {  	s23 =	simm.s32 $0x1B8B  }
0xa9: {  	_ =	swait.ge [sflag:s23], $0x1  }
0xaa: {  	[sflag:s23] =	ssyncset.done $0x0  }
0xab: {  	s25 =	simm.s32 $0x1B8E;
	s24 =	sld [smem:$0x3FFE];
	[sflag:s23] =	ssyncadd.s32 $0xFFFFFFFF  }
0xac: {  	s26 =	simm.s32 $execute0_lowered;
	[smem:$0x3FD2] =	sst s25  }
0xad: {  	s9 =	sshll.u32 s26, $0x1;
	_ =	strace $0x80000046;
	[dreg:$0x1] =	wrdreg $0xFFFFFFFF  }
0xae: {  	s28 =	simm.s32 $_size_execute0_lowered;
	s7 =	sadd.s32 s7, s9;
	[dreg:$0x0] =	wrdreg $0x0  }
0xaf: {  	s9 =	sshll.u32 s28, $0x1;
	[dreg:$0x2] =	wrdreg s7  }
0xb0: {  	[dreg:$0x3] =	wrdreg s9  }
0xb1: {  	[dreg:$0x4] =	wrdreg $0xC0  }
0xb2: {  	_ =	task [dreg:s11], $0x5FFFF  }
0xb3: {  	[dreg:$0x1] =	wrdreg $0xFFFFFFFF  }
0xb4: {  	[dreg:$0x0] =	wrdreg $0x60  }
0xb5: {  	[dreg:$0x2] =	wrdreg s15  }
0xb6: {  	[dreg:$0x3] =	wrdreg s24  }
0xb7: {  	[dreg:$0x4] =	wrdreg s16  }
0xb8: {  	[dreg:$0x5] =	wrdreg s18  }
0xb9: {  	[dreg:$0x6] =	wrdreg s17  }
0xba: {  	[dreg:$0x7] =	wrdreg s6  }
0xbb: {  	[dreg:$0x8] =	wrdreg $0x9  }
0xbc: {  	_ =	task.clear_ibuf [dreg:s11], $0x9FFFF;
	_ =	strace $0x90000046  }
0xbd: {  	s29 =	simm.s32 $0x9;
	_ =	strace $0x80000048  }
0xbe: {  	_ =	swait.ge [sflag:s29], $0x1  }
0xbf: {  	[sflag:s29] =	ssyncadd.s32 $0xFFFFFFFF  }
0xc0: {  	_ =	strace $0x90000048  }
0xc1: {  	_ =	sfence  }
0xc2: {  	s30 =	sld [smem:$0x0];
	_ =	sdelay $0x2  }
0xc3: {  	s31 =	sshll.u32 s1, $0xD;
	s1 =	sshrl.u32 s1, $0x2  }
0xc4: {  	s3 =	sand.u32 $0x4000, s31;
	s1 =	sadd.s32 s1, s30  }
0xc5: {  	s0 =	sor.u32 s3, s0;
	s1 =	sshll.u32 s1, $0x11  }
0xc6: {  	s0 =	sor.u32 s1, s0  }
0xc7: {  	s0 =	sadd.s32 $0x8F2B, s0  }
0xc8: {  	[sflag:s0] =	ssyncadd.remote.s32 $0x1  }
0xc9: {  	_ =	sfence.sel $0xFFFF  }
0xca: {  	[dreg:$0x0] =	wrdreg $0xFFFFFFFF;
	(pc) =	sbr.abs _section_cstart, $3  }
0xcb: {  	[dreg:$0x1] =	wrdreg $0xFFFFFFFF  }
0xcc: {  	_ =	task.clear_ibuf [dreg:s11], $0x2FFFF;
	_ =	strace $0x9FFFFFFF  }
0xcd: {  	(tm) =	ssettm $0x7FFFFFFF  }
tec
execute0_lowered:
.L_overlay_start_1:
0x0: {  	(tag) =	ssettag $0x1  }
0x1: {  	s3 =	rddreg [dreg:$0x0]  }
0x2: {  	s23 =	rddreg [dreg:$0x1]  }
0x3: {  	s18 =	rddreg [dreg:$0x2]  }
0x4: {  	s20 =	rddreg [dreg:$0x3];
	s1 =	srdreg.scid  }
0x5: {  	s21 =	rddreg [dreg:$0x4];
	s0 =	stileid.u32;
	s24 =	sand.u32 $0x1, s1  }
0x6: {  	s22 =	rddreg [dreg:$0x5];
	s4 =	sshll.u32 s0, $0x8;
	s5 =	sshll.u32 s24, $0x7  }
0x7: {  	s2 =	simm.s32 $0x0;
	s1 =	rddreg [dreg:$0x6];
	s25 =	sor.u32 s5, s4  }
0x8: {  	[smem:$0x7FF] =	sst s2;
	s4 =	sshrl.u32 s25, $0x3  }
0x9: {  	_ =	strace $0x80000047;
	s4 =	sadd.s32 s3, s4;
	s3 =	simm.s32 $0x2  }
0xa: {  	[tilespmem:s2], [sflag:$0x2] =	stream.linear.gather [hbm4b:s4+s2], $0x80, $0x38;
	[tilespmem:$0x8880] =	vst v63  }
0xb: {  	_ =	swait.ge [sflag:s3], $0x80  }
0xc: {  	[sflag:s3] =	ssyncset.done $0x0  }
0xd: {  	[sflag:s3] =	ssyncadd.s32 $0xFFFFFF80  }
0xe: {  	v0 =	vld [tilespmem:$0x70]  }
0xf: {  	v1 =	vld [tilespmem:$0x60]  }
0x10: {  	v2 =	vld [tilespmem:$0x50]  }
0x11: {  	v3 =	vld [tilespmem:$0x30]  }
0x12: {  	v4 =	vld [tilespmem:$0x20]  }
0x13: {  	v5 =	vld [tilespmem:$0x10];
	vm0 =	vlt.s32 v0, $0x1869F  }
0x14: {  	v6 =	vld [tilespmem:$0x40];
	vm1 =	vlt.s32 v1, $0x1869F;
	v0 =	vnsel vm0, $0x1869F, v0  }
0x15: {  	v7 =	vld [tilespmem:$0x0];
	vm10 =	vlt.s32 v2, $0x1869F;
	v1 =	vnsel vm1, $0x1869F, v1;
	[tilespmem:$0x70] =	vst v0  }
0x16: {  	vm11 =	vlt.s32 v3, $0x1869F;
	v58 =	vnsel vm10, $0x1869F, v2;
	[tilespmem:$0x60] =	vst v1  }
0x17: {  	vm12 =	vlt.s32 v4, $0x1869F;
	v59 =	vnsel vm11, $0x1869F, v3;
	[tilespmem:$0x50] =	vst v58  }
0x18: {  	vm13 =	vlt.s32 v5, $0x1869F;
	v60 =	vnsel vm12, $0x1869F, v4;
	[tilespmem:$0x30] =	vst v59  }
0x19: {  	vm14 =	vlt.s32 v6, $0x1869F;
	v61 =	vnsel vm13, $0x1869F, v5;
	[tilespmem:$0x20] =	vst v60  }
0x1a: {  	vm15 =	vlt.s32 v7, $0x1869F;
	v62 =	vnsel vm14, $0x1869F, v6;
	[tilespmem:$0x10] =	vst v61  }
0x1b: {  	v63 =	vnsel vm15, $0x1869F, v7;
	[tilespmem:$0x40] =	vst v62  }
0x1c: {  	s6 =	simm.s32 $0x80;
	s5 =	sadd.s32 $0x466800, s23;
	[tilespmem:$0x0] =	vst v63  }
0x1d: {  	[tilespmem:s6], [sflag:$0x1] =	stream.indirect.gather [hbm4b:s5+s6], $0x20, s2, s6, $0xb8;
	[tilespmem:$0x8880] =	vst v63  }
0x1e: {  	s8 =	simm.s32 $0x1080;
	s7 =	sadd.s32 $0x404C00, s23  }
0x1f: {  	[tilespmem:s8], [sflag:$0x1] =	stream.indirect.gather [hbm4b:s7+s6], $0x20, s2, s6, $0xb8;
	[tilespmem:$0x8880] =	vst v63  }
0x20: {  	s10 =	simm.s32 $0x2080;
	s9 =	sadd.s32 $0x128400, s23  }
0x21: {  	[tilespmem:s10], [sflag:$0x1] =	stream.indirect.gather [hbm4b:s9+s6], $0x30, s2, s6, $0xb8;
	[tilespmem:$0x8880] =	vst v63  }
0x22: {  	s12 =	simm.s32 $0x3880;
	s11 =	sadd.s32 $0x341600, s23  }
0x23: {  	[tilespmem:s12], [sflag:$0x1] =	stream.indirect.gather [hbm4b:s11+s6], $0x40, s2, s6, $0xb8;
	[tilespmem:$0x8880] =	vst v63  }
0x24: {  	s16 =	simm.s32 $0x5880;
	s14 =	sadd.s32 $0x95C00, s23  }
0x25: {  	[tilespmem:s16], [sflag:$0x1] =	stream.indirect.gather [hbm4b:s14+s6], $0x30, s2, s6, $0xb8;
	[tilespmem:$0x8880] =	vst v63  }
0x26: {  	s13 =	simm.s32 $0x7080;
	s15 =	simm.s32 $0x1;
	s17 =	sadd.s32 $0x3400, s23  }
0x27: {  	[tilespmem:s13], [sflag:$0x1] =	stream.indirect.gather [hbm4b:s17+s6], $0x30, s2, s6, $0xb8;
	[tilespmem:$0x8880] =	vst v63  }
0x28: {  	_ =	swait.ge [sflag:s15], $0x1000  }
0x29: {  	s19 =	sshll.u32 s25, $0x2;
	[sflag:s15] =	ssyncset.done $0x0  }
0x2a: {  	s18 =	sadd.s32 s18, s19;
	[sflag:s15] =	ssyncadd.s32 $0xFFFFF000  }
0x2b: {  	[hbm4b:s18+s2] =	stream.linear.scatter [tilespmem:s6], [sflag:$0x2], $0x1000, $0x38;
	[tilespmem:$0x8880] =	vst v63  }
0x2c: {  	_ =	swait.ge [sflag:s3], $0x1000  }
0x2d: {  	[sflag:s3] =	ssyncset.done $0x0  }
0x2e: {  	[sflag:s3] =	ssyncadd.s32 $0xFFFFF000  }
0x2f: {  	_ =	swait.ge [sflag:s15], $0x1000  }
0x30: {  	s19 =	sadd.s32 s19, s23;
	[sflag:s15] =	ssyncset.done $0x0  }
0x31: {  	s19 =	sadd.s32 $0x1C0C00, s19;
	[sflag:s15] =	ssyncadd.s32 $0xFFFFF000  }
0x32: {  	[hbm4b:s19+s2] =	stream.linear.scatter [tilespmem:s8], [sflag:$0x2], $0x1000, $0x38;
	[tilespmem:$0x8880] =	vst v63  }
0x33: {  	_ =	swait.ge [sflag:s3], $0x1000  }
0x34: {  	[sflag:s3] =	ssyncset.done $0x0  }
0x35: {  	[sflag:s3] =	ssyncadd.s32 $0xFFFFF000  }
0x36: {  	s26 =	smul.u32 $0x6, s25;
	_ =	swait.ge [sflag:s15], $0x1800  }
0x37: {  	[sflag:s15] =	ssyncset.done $0x0  }
0x38: {  	s20 =	sadd.s32 s20, s26;
	[sflag:s15] =	ssyncadd.s32 $0xFFFFE800  }
0x39: {  	[hbm4b:s20+s2] =	stream.linear.scatter [tilespmem:s10], [sflag:$0x2], $0x1800, $0x38;
	[tilespmem:$0x8880] =	vst v63  }
0x3a: {  	_ =	swait.ge [sflag:s3], $0x1800  }
0x3b: {  	[sflag:s3] =	ssyncset.done $0x0  }
0x3c: {  	[sflag:s3] =	ssyncadd.s32 $0xFFFFE800  }
0x3d: {  	_ =	swait.ge [sflag:s15], $0x2000  }
0x3e: {  	s25 =	sshll.u32 s25, $0x3;
	[sflag:s15] =	ssyncset.done $0x0  }
0x3f: {  	s24 =	ssub.s32 $0x2, s24;
	s21 =	sadd.s32 s21, s25;
	[sflag:s15] =	ssyncadd.s32 $0xFFFFE000  }
0x40: {  	[hbm4b:s21+s2] =	stream.linear.scatter [tilespmem:s12], [sflag:$0x2], $0x2000, $0x38;
	[tilespmem:$0x8880] =	vst v63  }
0x41: {  	s31 =	sshrl.u32 s24, $0x1;
	_ =	swait.ge [sflag:s3], $0x2000  }
0x42: {  	s24 =	ssub.s32 s24, s31;
	[sflag:s3] =	ssyncset.done $0x0  }
0x43: {  	s24 =	smax.u32 s24, $0x1;
	[sflag:s3] =	ssyncadd.s32 $0xFFFFE000  }
0x44: {  	p0 =	sne.s32 s24, $0x1;
	_ =	swait.ge [sflag:s15], $0x1800  }
.Ltmp0:
0x45: {  	[sflag:s15] =	ssyncset.done $0x0;
	(pc) =	sbr.rel @!p0 .LBB2_2-.Ltmp0, $4  }
0x46: {  	s22 =	sadd.s32 s22, s26;
	[sflag:s15] =	ssyncadd.s32 $0xFFFFE800  }
0x47: {  	[hbm4b:s22+s2] =	stream.linear.scatter [tilespmem:s16], [sflag:$0x2], $0x1800, $0x38;
	[tilespmem:$0x8880] =	vst v63  }
0x48: {  	s23 =	sadd.s32 s26, s23;
	_ =	swait.ge [sflag:s3], $0x1800  }
0x49: {  	s24 =	sadd.s32 $0xFFFFFFFF, s24;
	s23 =	sadd.s32 $0x1BAC00, s23;
	[sflag:s3] =	ssyncset.done $0x0  }
.LBB2_1:
0x4a: {  	p0 =	sne.s32 s24, $0x1;
	s24 =	sadd.s32 $0xFFFFFFFF, s24;
	[sflag:s3] =	ssyncadd.s32 $0xFFFFE800  }
0x4b: {  	_ =	swait.ge [sflag:s15], $0x1800  }
0x4c: {  	[sflag:s15] =	ssyncset.done $0x0  }
0x4d: {  	[sflag:s15] =	ssyncadd.s32 $0xFFFFE800  }
0x4e: {  	[hbm4b:s23+s2] =	stream.linear.scatter [tilespmem:s13], [sflag:$0x2], $0x1800, $0x38;
	[tilespmem:$0x8880] =	vst v63  }
0x4f: {  	_ =	swait.ge [sflag:s3], $0x1800  }
0x50: {  	[sflag:s3] =	ssyncset.done $0x0  }
0x51: {  	[sflag:s3] =	ssyncadd.s32 $0xFFFFE800;
	_ =	sdelay $0x1  }
0x52: {  	[tilespmem:s2], [sflag:$0x2] =	stream.linear.gather [hbm4b:s4+s2], $0x80, $0x38;
	[tilespmem:$0x8880] =	vst v63  }
0x53: {  	_ =	swait.ge [sflag:s3], $0x80  }
0x54: {  	[sflag:s3] =	ssyncset.done $0x0  }
0x55: {  	[sflag:s3] =	ssyncadd.s32 $0xFFFFFF80  }
0x56: {  	v0 =	vld [tilespmem:$0x70]  }
0x57: {  	v1 =	vld [tilespmem:$0x60]  }
0x58: {  	v2 =	vld [tilespmem:$0x50]  }
0x59: {  	v3 =	vld [tilespmem:$0x30]  }
0x5a: {  	v4 =	vld [tilespmem:$0x20]  }
0x5b: {  	v5 =	vld [tilespmem:$0x10];
	vm0 =	vlt.s32 v0, $0x1869F  }
0x5c: {  	v6 =	vld [tilespmem:$0x40];
	vm1 =	vlt.s32 v1, $0x1869F;
	v0 =	vnsel vm0, $0x1869F, v0  }
0x5d: {  	v7 =	vld [tilespmem:$0x0];
	vm0 =	vlt.s32 v2, $0x1869F;
	v1 =	vnsel vm1, $0x1869F, v1;
	[tilespmem:$0x70] =	vst v0  }
0x5e: {  	vm1 =	vlt.s32 v3, $0x1869F;
	v0 =	vnsel vm0, $0x1869F, v2;
	[tilespmem:$0x60] =	vst v1  }
0x5f: {  	vm0 =	vlt.s32 v4, $0x1869F;
	v1 =	vnsel vm1, $0x1869F, v3;
	[tilespmem:$0x50] =	vst v0  }
0x60: {  	vm1 =	vlt.s32 v5, $0x1869F;
	v0 =	vnsel vm0, $0x1869F, v4;
	[tilespmem:$0x30] =	vst v1  }
0x61: {  	v1 =	vnsel vm1, $0x1869F, v5;
	[tilespmem:$0x20] =	vst v0;
	vm0 =	vlt.s32 v6, $0x1869F  }
0x62: {  	vm1 =	vlt.s32 v7, $0x1869F;
	[tilespmem:$0x10] =	vst v1;
	v0 =	vnsel vm0, $0x1869F, v6  }
0x63: {  	v1 =	vnsel vm1, $0x1869F, v7;
	[tilespmem:$0x40] =	vst v0  }
0x64: {  	[tilespmem:$0x0] =	vst v1  }
0x65: {  	[tilespmem:s6], [sflag:$0x1] =	stream.indirect.gather [hbm4b:s5+s6], $0x20, s2, s6, $0xb8;
	[tilespmem:$0x8880] =	vst v63  }
0x66: {  	_ = 	snop  }
0x67: {  	[tilespmem:s8], [sflag:$0x1] =	stream.indirect.gather [hbm4b:s7+s6], $0x20, s2, s6, $0xb8;
	[tilespmem:$0x8880] =	vst v63  }
0x68: {  	_ = 	snop  }
0x69: {  	[tilespmem:s10], [sflag:$0x1] =	stream.indirect.gather [hbm4b:s9+s6], $0x30, s2, s6, $0xb8;
	[tilespmem:$0x8880] =	vst v63  }
0x6a: {  	_ = 	snop  }
0x6b: {  	[tilespmem:s12], [sflag:$0x1] =	stream.indirect.gather [hbm4b:s11+s6], $0x40, s2, s6, $0xb8;
	[tilespmem:$0x8880] =	vst v63  }
0x6c: {  	_ = 	snop  }
0x6d: {  	[tilespmem:s16], [sflag:$0x1] =	stream.indirect.gather [hbm4b:s14+s6], $0x30, s2, s6, $0xb8;
	[tilespmem:$0x8880] =	vst v63  }
0x6e: {  	_ = 	snop  }
0x6f: {  	[tilespmem:s13], [sflag:$0x1] =	stream.indirect.gather [hbm4b:s17+s6], $0x30, s2, s6, $0xb8;
	[tilespmem:$0x8880] =	vst v63  }
0x70: {  	_ =	swait.ge [sflag:s15], $0x1000  }
0x71: {  	[sflag:s15] =	ssyncset.done $0x0  }
0x72: {  	[sflag:s15] =	ssyncadd.s32 $0xFFFFF000  }
0x73: {  	[hbm4b:s18+s2] =	stream.linear.scatter [tilespmem:s6], [sflag:$0x2], $0x1000, $0x38;
	[tilespmem:$0x8880] =	vst v63  }
0x74: {  	_ =	swait.ge [sflag:s3], $0x1000  }
0x75: {  	[sflag:s3] =	ssyncset.done $0x0  }
0x76: {  	[sflag:s3] =	ssyncadd.s32 $0xFFFFF000  }
0x77: {  	_ =	swait.ge [sflag:s15], $0x1000  }
0x78: {  	[sflag:s15] =	ssyncset.done $0x0  }
0x79: {  	[sflag:s15] =	ssyncadd.s32 $0xFFFFF000  }
0x7a: {  	[hbm4b:s19+s2] =	stream.linear.scatter [tilespmem:s8], [sflag:$0x2], $0x1000, $0x38;
	[tilespmem:$0x8880] =	vst v63  }
0x7b: {  	_ =	swait.ge [sflag:s3], $0x1000  }
0x7c: {  	[sflag:s3] =	ssyncset.done $0x0  }
0x7d: {  	[sflag:s3] =	ssyncadd.s32 $0xFFFFF000  }
0x7e: {  	_ =	swait.ge [sflag:s15], $0x1800  }
0x7f: {  	[sflag:s15] =	ssyncset.done $0x0  }
0x80: {  	[sflag:s15] =	ssyncadd.s32 $0xFFFFE800  }
0x81: {  	[hbm4b:s20+s2] =	stream.linear.scatter [tilespmem:s10], [sflag:$0x2], $0x1800, $0x38;
	[tilespmem:$0x8880] =	vst v63  }
0x82: {  	_ =	swait.ge [sflag:s3], $0x1800  }
0x83: {  	[sflag:s3] =	ssyncset.done $0x0  }
0x84: {  	[sflag:s3] =	ssyncadd.s32 $0xFFFFE800  }
0x85: {  	_ =	swait.ge [sflag:s15], $0x2000  }
0x86: {  	[sflag:s15] =	ssyncset.done $0x0  }
0x87: {  	[sflag:s15] =	ssyncadd.s32 $0xFFFFE000  }
0x88: {  	[hbm4b:s21+s2] =	stream.linear.scatter [tilespmem:s12], [sflag:$0x2], $0x2000, $0x38;
	[tilespmem:$0x8880] =	vst v63  }
0x89: {  	_ =	swait.ge [sflag:s3], $0x2000  }
0x8a: {  	[sflag:s3] =	ssyncset.done $0x0  }
0x8b: {  	[sflag:s3] =	ssyncadd.s32 $0xFFFFE000  }
0x8c: {  	_ =	swait.ge [sflag:s15], $0x1800  }
.Ltmp1:
0x8d: {  	[sflag:s15] =	ssyncset.done $0x0;
	(pc) =	sbr.rel @p0 .LBB2_1-.Ltmp1, $4  }
0x8e: {  	[sflag:s15] =	ssyncadd.s32 $0xFFFFE800  }
0x8f: {  	[hbm4b:s22+s2] =	stream.linear.scatter [tilespmem:s16], [sflag:$0x2], $0x1800, $0x38;
	[tilespmem:$0x8880] =	vst v63  }
0x90: {  	_ =	swait.ge [sflag:s3], $0x1800  }
0x91: {  	[sflag:s3] =	ssyncset.done $0x0  }
.LBB2_2:
0x92: {  	[sflag:s3] =	ssyncadd.s32 $0xFFFFE800  }
0x93: {  	_ =	swait.ge [sflag:s15], $0x1800  }
0x94: {  	[sflag:s15] =	ssyncset.done $0x0  }
0x95: {  	[sflag:s15] =	ssyncadd.s32 $0xFFFFE800  }
0x96: {  	[hbm4b:s23+s2] =	stream.linear.scatter [tilespmem:s13], [sflag:$0x2], $0x1800, $0x38;
	[tilespmem:$0x8880] =	vst v63  }
0x97: {  	_ =	swait.ge [sflag:s3], $0x1800  }
0x98: {  	[sflag:s3] =	ssyncset.done $0x0  }
0x99: {  	[sflag:s3] =	ssyncadd.s32 $0xFFFFE800  }
0x9a: {  	_ =	sfence.sel $0x180000  }
0x9b: {  	[bflag:$0x0] =	sbarrier.arrive $0xFFFF  }
0x9c: {  	p0 =	sne.s32 s0, $0x0;
	_ =	strace $0x90000047  }
0x9d: {  	s0 =	sadd.s32 @!p0 $0x100000, s1;
	[bflag:$0x2] =	sbarrier.arrive $0xFFFF  }
0x9e: {  	[sflag:s0] =	ssyncadd.tile.s32 @!p0 $0x1;
	_ =	shalt  }
.Lfunc_end2:
_tile_overlayer_lowered:
.L_overlay_start_2:
0x9f: {  	(tag) =	ssettag $0x2  }
0xa0: {  	s0 =	rddreg [dreg:$0x0];
	s2 =	stileid.u32  }
0xa1: {  	s1 =	rddreg [dreg:$0x1];
	p0 =	sne.s32 s2, $0x0  }
0xa2: {  	s3 =	rddreg [dreg:$0x2];
	[bflag:$0x3] =	sbarrier.arrive $0xFFFF;
	s2 =	simm.s32 @!p0 $0x1C02  }
0xa3: {  	[timem:s3], [sflag:s2] =	dma.local @!p0 [hbm:s0], s1  }
0xa4: {  	s0 =	simm.s32 @!p0 $0x2  }
0xa5: {  	_ =	swait.ge @!p0 [sflag:s0], s1  }
0xa6: {  	s1 =	ssub.s32 @!p0 $0x0, s1;
	[sflag:s0] =	ssyncset.done @!p0 $0x0  }
0xa7: {  	[sflag:s0] =	ssyncadd.s32 @!p0 s1  }
0xa8: {  	[bflag:$0x3] =	sbarrier.arrive $0xFFFF  }
0xa9: {  	_ =	shalt  }

</sc_bundles>
